<compile_context>
chip_gen: v7x
topology: tpu7x:2x2x1
jax: 0.10.2.dev20260603
libtpu: 0.0.44.dev20260713+nightly
codegen_flags: <defaults>
</compile_context>

<pallas_src>
import jax
import jax.numpy as jnp
from jax import lax
from jax.experimental import pallas as pl
from jax.experimental.pallas import tpu as pltpu
from jax.experimental.pallas import tpu_sc as plsc

_MARGIN = 0.3
_S = 15.0
_B = 1024
_C = 100000
_RB = 32
_LOG2E = 1.4426950408889634
_LN2 = 0.6931471805599453
_NW = 32
_RPW = _B // _NW


def _sc_gather_body(costh_hbm, label_hbm, out_hbm, lab_v, buf_v, out_v, sem):
    wid = lax.axis_index("s") * 2 + lax.axis_index("c")
    base = wid * _RPW
    pltpu.sync_copy(label_hbm.at[pl.ds(base, _RPW)], lab_v)
    laba = lab_v[pl.ds(0, 16)]
    labb = lab_v[pl.ds(16, 16)]
    ta = lax.shift_right_logical(laba, 7)
    tb = lax.shift_right_logical(labb, 7)
    offa = laba & 127
    offb = labb & 127
    r16 = lax.iota(jnp.int32, 16)

    def step(k, carry):
        hita = ta == k
        hitb = tb == k

        @pl.when(jnp.any(hita) | jnp.any(hitb))
        def _():
            col0 = lax.mul(k, 128)
            pltpu.sync_copy(
                costh_hbm.at[pl.ds(base, _RPW), pl.ds(col0, 128)], buf_v)
            va = plsc.load_gather(buf_v, [r16, offa], mask=hita)
            plsc.store_scatter(out_v, [r16], va, mask=hita)
            vb = plsc.load_gather(buf_v, [r16 + 16, offb], mask=hitb)
            plsc.store_scatter(out_v, [r16 + 16], vb, mask=hitb)

        return carry

    lax.fori_loop(0, (_C + 127) // 128, step, 0)
    pltpu.sync_copy(out_v, out_hbm.at[pl.ds(base, _RPW)])


def _sc_gather(costh, label):
    mesh = plsc.VectorSubcoreMesh(core_axis_name="c", subcore_axis_name="s")
    f = pl.kernel(
        _sc_gather_body,
        out_type=jax.ShapeDtypeStruct((_B,), jnp.float32),
        mesh=mesh,
        scratch_types=[
            pltpu.VMEM((_RPW,), jnp.int32),
            pltpu.VMEM((_RPW, 128), jnp.float32),
            pltpu.VMEM((_RPW,), jnp.float32),
            pltpu.SemaphoreType.DMA,
        ],
        compiler_params=pltpu.CompilerParams(use_tc_tiling_on_sc=True,
                                             needs_layout_passes=False),
    )
    return f(costh, label)


def _tc_body(costh_ref, s_ref):
    x = costh_ref[...]
    y = x * (_S * _LOG2E)
    s = jnp.sum(jnp.exp2(y), axis=1)
    s_ref[...] = s.reshape(1, 1, _RB)


def _combine_body(s_ref, cl_ref, out_ref):
    s = s_ref[...]
    yl = cl_ref[...] * (_S * _LOG2E)
    d = _S * _MARGIN * _LOG2E
    s_corr = s - jnp.exp2(yl) + jnp.exp2(yl - d)
    total = _LN2 * jnp.sum(jnp.log2(s_corr) - (yl - d))
    out_ref[...] = total.reshape(1, 1) / _B


def kernel(costh, label):
    cl = _sc_gather(costh, label.astype(jnp.int32))
    s = pl.pallas_call(
        _tc_body,
        grid=(_B // _RB,),
        in_specs=[pl.BlockSpec((_RB, _C), lambda i: (i, 0))],
        out_specs=pl.BlockSpec((1, 1, _RB), lambda i: (i, 0, 0)),
        out_shape=jax.ShapeDtypeStruct((_B // _RB, 1, _RB), jnp.float32),
    )(costh)
    total = pl.pallas_call(
        _combine_body,
        in_specs=[
            pl.BlockSpec((_B // _RB, 1, _RB), lambda: (0, 0, 0)),
            pl.BlockSpec((_B // _RB, 1, _RB), lambda: (0, 0, 0)),
        ],
        out_specs=pl.BlockSpec((1, 1), lambda: (0, 0)),
        out_shape=jax.ShapeDtypeStruct((1, 1), jnp.float32),
    )(s, cl.reshape(_B // _RB, 1, _RB))
    return total[0, 0]

# --- scband reference (transcript-rebuilt; emitter-appended) ---
"""Pipeline reference for scband-amsoftmax-loss-56745107915465 (READ-ONLY COPY).

The authoritative reference and input builder live on the scoring server;
editing this copy changes nothing except your own understanding.
"""

import jax, jax.numpy as jnp
import numpy as np

MARGIN = 0.3
S = 15.0
B = 1024
C = 100000


def setup_inputs(seed: int = 0) -> dict:
    key = jax.random.key(seed)
    k1, k2 = jax.random.split(key)
    # cosine similarities in [-1, 1]
    costh = jax.random.uniform(k1, (B, C), dtype=jnp.float32, minval=-1.0, maxval=1.0)
    label = jax.random.randint(k2, (B,), 0, C, dtype=jnp.int32)
    return {"costh": costh, "label": label}


def reference(costh, label):
    # delt_costh = zeros.scatter_(1, label, margin)
    delt = jnp.zeros_like(costh).at[jnp.arange(costh.shape[0]), label].set(MARGIN)
    costh_m = costh - delt
    logits = S * costh_m
    # cross entropy with mean reduction (faithful to nn.CrossEntropyLoss)
    logZ = jax.nn.logsumexp(logits, axis=1)
    true_logit = jnp.take_along_axis(logits, label[:, None].astype(jnp.int32), axis=1)[:, 0]
    loss = jnp.mean(logZ - true_logit)
    return loss

if __name__ == "__main__":
    import jax
    _d = setup_inputs()
    print(jax.jit(kernel)(*tuple(_d.values())))

</pallas_src>

<mosaic_0001>
#map = affine_map<(d0, d1) -> (0, 0)>
#map1 = affine_map<(d0, d1) -> (0)>
module attributes {stable_mosaic.version = 14 : i64} {
  func.func @_sc_gather_body(%arg0: i32, %arg1: i32, %arg2: memref<1024x100000xf32, #tpu.memory_space<hbm>>, %arg3: memref<1024xi32, #tpu.memory_space<hbm>>, %arg4: memref<1024xf32, #tpu.memory_space<hbm>>, %arg5: memref<32xi32, #tpu.memory_space<vmem>>, %arg6: memref<32x128xf32, #tpu.memory_space<vmem>>, %arg7: memref<32xf32, #tpu.memory_space<vmem>>, %arg8: memref<!tpu.dma_semaphore, #tpu.memory_space<semaphore_mem>>) attributes {dimension_semantics = [#tpu.dimension_semantics<core_parallel>, #tpu.dimension_semantics<subcore_parallel>], iteration_bounds = array<i64: 2, 16>, scalar_prefetch = 0 : i64, scratch_operands = 4 : i64, tpu.core_type = #tpu.core_type<sc_vector_subcore>, window_params = [{transform_indices = #map}, {transform_indices = #map1}, {transform_indices = #map1}]} {
    %mul3A = arith.constant 2 : i32
    %mul3A_0 = arith.muli %arg1, %mul3A : i32
    %add3A = arith.addi %mul3A_0, %arg0 : i32
    %mul3A_1 = arith.constant 32 : i32
    %mul3A_2 = arith.muli %add3A, %mul3A_1 : i32
    "tpu.region"() ({
      %run_scoped3A = tpu.sem_alloc : memref<!tpu.dma_semaphore, #tpu.memory_space<semaphore_mem>>
      %dma_start3A = tpu.memref_slice %arg3[%mul3A_2] : memref<1024xi32, #tpu.memory_space<hbm>> -> memref<32xi32, #tpu.memory_space<hbm>>
      %dma_start3A_21 = tpu.memref_slice %arg3[%mul3A_2] : memref<1024xi32, #tpu.memory_space<hbm>> -> memref<32xi32, #tpu.memory_space<hbm>>
      tpu.enqueue_dma source(%dma_start3A_21 : memref<32xi32, #tpu.memory_space<hbm>>) target(%arg5 : memref<32xi32, #tpu.memory_space<vmem>>) target_semaphore(%run_scoped3A : memref<!tpu.dma_semaphore, #tpu.memory_space<semaphore_mem>>)
      %dma_wait3A = tpu.memref_slice %arg3[%mul3A_2] : memref<1024xi32, #tpu.memory_space<hbm>> -> memref<32xi32, #tpu.memory_space<hbm>>
      %dma_wait3A_22 = tpu.memref_slice %arg3[%mul3A_2] : memref<1024xi32, #tpu.memory_space<hbm>> -> memref<32xi32, #tpu.memory_space<hbm>>
      tpu.wait_dma2 semaphore(%run_scoped3A : memref<!tpu.dma_semaphore, #tpu.memory_space<semaphore_mem>>) src(%dma_wait3A_22 : memref<32xi32, #tpu.memory_space<hbm>>) dst(%arg5 : memref<32xi32, #tpu.memory_space<vmem>>)
      tpu.yield
    }) : () -> ()
    %get3A = arith.constant 0 : index
    %get3A_3 = tpu.vector_load %arg5[%get3A] {strides = array<i32>} : memref<32xi32, #tpu.memory_space<vmem>>, vector<16xi32>,
    %get3A_4 = arith.constant 16 : index
    %get3A_5 = tpu.vector_load %arg5[%get3A_4] {strides = array<i32>} : memref<32xi32, #tpu.memory_space<vmem>>, vector<16xi32>,
    %shift_right_logical3A = arith.constant 7 : i32
    %shift_right_logical3A_6 = vector.broadcast %shift_right_logical3A : i32 to vector<16xi32>
    %shift_right_logical3A_7 = arith.shrui %get3A_3, %shift_right_logical3A_6 : vector<16xi32>
    %shift_right_logical3A_8 = arith.constant 7 : i32
    %shift_right_logical3A_9 = vector.broadcast %shift_right_logical3A_8 : i32 to vector<16xi32>
    %shift_right_logical3A_10 = arith.shrui %get3A_5, %shift_right_logical3A_9 : vector<16xi32>
    %and3A = arith.constant 127 : i32
    %and3A_11 = vector.broadcast %and3A : i32 to vector<16xi32>
    %and3A_12 = arith.andi %get3A_3, %and3A_11 : vector<16xi32>
    %and3A_13 = arith.constant 127 : i32
    %and3A_14 = vector.broadcast %and3A_13 : i32 to vector<16xi32>
    %and3A_15 = arith.andi %get3A_5, %and3A_14 : vector<16xi32>
    %iota3A = tpu.iota {dimensions = array<i32: 0>} : vector<16xi32>
    %scan3A = arith.constant 0 : i32
    %scan3A_16 = arith.constant 0 : i32
    %scan3A_17 = arith.constant 782 : i32
    %scan3A_18 = arith.addi %scan3A_16, %scan3A_17 : i32
    %scan3A_19 = arith.constant 1 : i32
    scf.for %scan3A_21 = %scan3A_16 to %scan3A_18 step %scan3A_19  : i32 {
      %eq3A = vector.broadcast %scan3A_21 : i32 to vector<16xi32>
      %eq3A_22 = arith.cmpi eq, %shift_right_logical3A_7, %eq3A : vector<16xi32>
      %eq3A_23 = vector.broadcast %scan3A_21 : i32 to vector<16xi32>
      %eq3A_24 = arith.cmpi eq, %shift_right_logical3A_10, %eq3A_23 : vector<16xi32>
      %reduce_or3A = arith.constant 1.000000e+00 : f32
      %reduce_or3A_25 = arith.constant 0.000000e+00 : f32
      %reduce_or3A_26 = vector.broadcast %reduce_or3A : f32 to vector<16xf32>
      %reduce_or3A_27 = vector.broadcast %reduce_or3A_25 : f32 to vector<16xf32>
      %reduce_or3A_28 = arith.select %eq3A_22, %reduce_or3A_26, %reduce_or3A_27 : vector<16xi1>, vector<16xf32>
      %reduce_or3A_29 = arith.constant true
      %reduce_or3A_30 = vector.broadcast %reduce_or3A_29 : i1 to vector<16xi1>
      %reduce_or3A_31 = tpu.scan <max>, %reduce_or3A_28 masked %reduce_or3A_30 : vector<16xf32>, vector<16xi1> -> vector<16xf32>
      %reduce_or3A_32 = vector.extract %reduce_or3A_31[15] : f32 from vector<16xf32>
      %reduce_or3A_33 = arith.constant 0.000000e+00 : f32
      %reduce_or3A_34 = arith.cmpf ogt, %reduce_or3A_32, %reduce_or3A_33 : f32
      %reduce_or3A_35 = arith.constant 1.000000e+00 : f32
      %reduce_or3A_36 = arith.constant 0.000000e+00 : f32
      %reduce_or3A_37 = vector.broadcast %reduce_or3A_35 : f32 to vector<16xf32>
      %reduce_or3A_38 = vector.broadcast %reduce_or3A_36 : f32 to vector<16xf32>
      %reduce_or3A_39 = arith.select %eq3A_24, %reduce_or3A_37, %reduce_or3A_38 : vector<16xi1>, vector<16xf32>
      %reduce_or3A_40 = arith.constant true
      %reduce_or3A_41 = vector.broadcast %reduce_or3A_40 : i1 to vector<16xi1>
      %reduce_or3A_42 = tpu.scan <max>, %reduce_or3A_39 masked %reduce_or3A_41 : vector<16xf32>, vector<16xi1> -> vector<16xf32>
      %reduce_or3A_43 = vector.extract %reduce_or3A_42[15] : f32 from vector<16xf32>
      %reduce_or3A_44 = arith.constant 0.000000e+00 : f32
      %reduce_or3A_45 = arith.cmpf ogt, %reduce_or3A_43, %reduce_or3A_44 : f32
      %or3A = arith.ori %reduce_or3A_34, %reduce_or3A_45 : i1
      %convert_element_type3A = arith.extui %or3A : i1 to i32
      %cond3A = arith.constant 0 : i32
      %cond3A_46 = arith.cmpi ne, %convert_element_type3A, %cond3A : i32
      scf.if %cond3A_46 {
        %mul3A_47 = arith.constant 128 : i32
        %mul3A_48 = arith.muli %scan3A_21, %mul3A_47 : i32
        "tpu.region"() ({
          %run_scoped3A = tpu.sem_alloc : memref<!tpu.dma_semaphore, #tpu.memory_space<semaphore_mem>>
          %dma_start3A = tpu.memref_slice %arg2[%mul3A_2, %mul3A_48] : memref<1024x100000xf32, #tpu.memory_space<hbm>> -> memref<32x128xf32, #tpu.memory_space<hbm>>
          %dma_start3A_56 = tpu.memref_slice %arg2[%mul3A_2, %mul3A_48] : memref<1024x100000xf32, #tpu.memory_space<hbm>> -> memref<32x128xf32, #tpu.memory_space<hbm>>
          tpu.enqueue_dma source(%dma_start3A_56 : memref<32x128xf32, #tpu.memory_space<hbm>>) target(%arg6 : memref<32x128xf32, #tpu.memory_space<vmem>>) target_semaphore(%run_scoped3A : memref<!tpu.dma_semaphore, #tpu.memory_space<semaphore_mem>>)
          %dma_wait3A = tpu.memref_slice %arg2[%mul3A_2, %mul3A_48] : memref<1024x100000xf32, #tpu.memory_space<hbm>> -> memref<32x128xf32, #tpu.memory_space<hbm>>
          %dma_wait3A_57 = tpu.memref_slice %arg2[%mul3A_2, %mul3A_48] : memref<1024x100000xf32, #tpu.memory_space<hbm>> -> memref<32x128xf32, #tpu.memory_space<hbm>>
          tpu.wait_dma2 semaphore(%run_scoped3A : memref<!tpu.dma_semaphore, #tpu.memory_space<semaphore_mem>>) src(%dma_wait3A_57 : memref<32x128xf32, #tpu.memory_space<hbm>>) dst(%arg6 : memref<32x128xf32, #tpu.memory_space<vmem>>)
          tpu.yield
        }) : () -> ()
        %gather3A = tpu.vector_load_idx %arg6[%iota3A, %and3A_12] masked %eq3A_22 : memref<32x128xf32, #tpu.memory_space<vmem>>[vector<16xi32>, vector<16xi32>], vector<16xf32>, vector<16xi1>
        tpu.vector_store_idx %arg7[%iota3A], %gather3A masked %eq3A_22 : memref<32xf32, #tpu.memory_space<vmem>>[vector<16xi32>], vector<16xf32>, vector<16xi1>
        %add3A_49 = arith.constant 16 : i32
        %add3A_50 = vector.broadcast %add3A_49 : i32 to vector<16xi32>
        %add3A_51 = arith.addi %iota3A, %add3A_50 : vector<16xi32>
        %gather3A_52 = tpu.vector_load_idx %arg6[%add3A_51, %and3A_15] masked %eq3A_24 : memref<32x128xf32, #tpu.memory_space<vmem>>[vector<16xi32>, vector<16xi32>], vector<16xf32>, vector<16xi1>
        %add3A_53 = arith.constant 16 : i32
        %add3A_54 = vector.broadcast %add3A_53 : i32 to vector<16xi32>
        %add3A_55 = arith.addi %iota3A, %add3A_54 : vector<16xi32>
        tpu.vector_store_idx %arg7[%add3A_55], %gather3A_52 masked %eq3A_24 : memref<32xf32, #tpu.memory_space<vmem>>[vector<16xi32>], vector<16xf32>, vector<16xi1>
      } else {
      }
    }
    %scan3A_20 = arith.constant 782 : i32
    "tpu.region"() ({
      %run_scoped3A = tpu.sem_alloc : memref<!tpu.dma_semaphore, #tpu.memory_space<semaphore_mem>>
      %dma_start3A = tpu.memref_slice %arg4[%mul3A_2] : memref<1024xf32, #tpu.memory_space<hbm>> -> memref<32xf32, #tpu.memory_space<hbm>>
      %dma_start3A_21 = tpu.memref_slice %arg4[%mul3A_2] : memref<1024xf32, #tpu.memory_space<hbm>> -> memref<32xf32, #tpu.memory_space<hbm>>
      tpu.enqueue_dma source(%arg7 : memref<32xf32, #tpu.memory_space<vmem>>) target(%dma_start3A_21 : memref<32xf32, #tpu.memory_space<hbm>>) target_semaphore(%run_scoped3A : memref<!tpu.dma_semaphore, #tpu.memory_space<semaphore_mem>>)
      %dma_wait3A = tpu.memref_slice %arg4[%mul3A_2] : memref<1024xf32, #tpu.memory_space<hbm>> -> memref<32xf32, #tpu.memory_space<hbm>>
      %dma_wait3A_22 = tpu.memref_slice %arg4[%mul3A_2] : memref<1024xf32, #tpu.memory_space<hbm>> -> memref<32xf32, #tpu.memory_space<hbm>>
      tpu.wait_dma2 semaphore(%run_scoped3A : memref<!tpu.dma_semaphore, #tpu.memory_space<semaphore_mem>>) src(%arg7 : memref<32xf32, #tpu.memory_space<vmem>>) dst(%dma_wait3A_22 : memref<32xf32, #tpu.memory_space<hbm>>)
      tpu.yield
    }) : () -> ()
    return
  }
}

module attributes {stable_mosaic.version = 14 : i64} {
  func.func @_tc_body(%arg0: i32, %arg1: memref<32x100000xf32, #tpu.memory_space<vmem>>, %arg2: memref<1x1x32xf32, #tpu.memory_space<vmem>>) attributes {dimension_semantics = [#tpu.dimension_semantics<arbitrary>], iteration_bounds = array<i64: 32>, scalar_prefetch = 0 : i64, scratch_operands = 0 : i64, tpu.core_type = #tpu.core_type<tc>, window_params = [{transform_indices = @transform_0, window_bounds = array<i64: 32, 100000>}, {transform_indices = @transform_1, window_bounds = array<i64: 1, 1, 32>}]} {
    %get3A = arith.constant 0 : index
    %get3A_0 = arith.constant 0 : index
    %get3A_1 = vector.load %arg1[%get3A, %get3A_0] : memref<32x100000xf32, #tpu.memory_space<vmem>>, vector<32x100000xf32>
    %mul3A = arith.constant 21.6404247 : f32
    %mul3A_2 = vector.broadcast %mul3A : f32 to vector<32x100000xf32>
    %mul3A_3 = arith.mulf %get3A_1, %mul3A_2 : vector<32x100000xf32>
    %exp23A = math.exp2 %mul3A_3 : vector<32x100000xf32>
    %reduce_sum3A = arith.constant dense<0.000000e+00> : vector<32xf32>
    %reduce_sum3A_4 = vector.multi_reduction <add>, %exp23A, %reduce_sum3A [1] : vector<32x100000xf32> to vector<32xf32>
    %reshape3A = vector.shape_cast %reduce_sum3A_4 : vector<32xf32> to vector<1x1x32xf32>
    %swap3A = arith.constant 0 : index
    %swap3A_5 = arith.constant 0 : index
    %swap3A_6 = arith.constant 0 : index
    %swap3A_7 = vector.load %arg2[%swap3A, %swap3A_5, %swap3A_6] : memref<1x1x32xf32, #tpu.memory_space<vmem>>, vector<1x1x32xf32>
    tpu.vector_store %arg2[%swap3A, %swap3A_5, %swap3A_6], %reshape3A {strides = array<i32>} : memref<1x1x32xf32, #tpu.memory_space<vmem>>, vector<1x1x32xf32>,
    return
  }
  func.func @transform_0(%arg0: i32) -> (i32, i32) {
    %c0_i32 = arith.constant 0 : i32
    %c0_i32_0 = arith.constant 0 : i32
    return %arg0, %c0_i32 : i32, i32
  }
  func.func @transform_1(%arg0: i32) -> (i32, i32, i32) {
    %c0_i32 = arith.constant 0 : i32
    %c0_i32_0 = arith.constant 0 : i32
    %c0_i32_1 = arith.constant 0 : i32
    return %arg0, %c0_i32, %c0_i32_0 : i32, i32, i32
  }
}

module attributes {stable_mosaic.version = 14 : i64} {
  func.func @_combine_body(%arg0: memref<32x1x32xf32, #tpu.memory_space<vmem>>, %arg1: memref<32x1x32xf32, #tpu.memory_space<vmem>>, %arg2: memref<1x1xf32, #tpu.memory_space<vmem>>) attributes {dimension_semantics = [], scalar_prefetch = 0 : i64, scratch_operands = 0 : i64, tpu.core_type = #tpu.core_type<tc>} {
    %get3A = arith.constant 0 : index
    %get3A_0 = arith.constant 0 : index
    %get3A_1 = arith.constant 0 : index
    %get3A_2 = vector.load %arg0[%get3A, %get3A_0, %get3A_1] : memref<32x1x32xf32, #tpu.memory_space<vmem>>, vector<32x1x32xf32>
    %get3A_3 = arith.constant 0 : index
    %get3A_4 = arith.constant 0 : index
    %get3A_5 = arith.constant 0 : index
    %get3A_6 = vector.load %arg1[%get3A_3, %get3A_4, %get3A_5] : memref<32x1x32xf32, #tpu.memory_space<vmem>>, vector<32x1x32xf32>
    %mul3A = arith.constant 21.6404247 : f32
    %mul3A_7 = vector.broadcast %mul3A : f32 to vector<32x1x32xf32>
    %mul3A_8 = arith.mulf %get3A_6, %mul3A_7 : vector<32x1x32xf32>
    %exp23A = math.exp2 %mul3A_8 : vector<32x1x32xf32>
    %sub3A = arith.subf %get3A_2, %exp23A : vector<32x1x32xf32>
    %sub3A_9 = arith.constant 6.4921279 : f32
    %sub3A_10 = vector.broadcast %sub3A_9 : f32 to vector<32x1x32xf32>
    %sub3A_11 = arith.subf %mul3A_8, %sub3A_10 : vector<32x1x32xf32>
    %exp23A_12 = math.exp2 %sub3A_11 : vector<32x1x32xf32>
    %add3A = arith.addf %sub3A, %exp23A_12 : vector<32x1x32xf32>
    %log3A = math.log %add3A : vector<32x1x32xf32>
    %log3A_13 = arith.constant 2.000000e+00 : f32
    %log3A_14 = math.log %log3A_13 : f32
    %div3A = vector.broadcast %log3A_14 : f32 to vector<32x1x32xf32>
    %div3A_15 = arith.divf %log3A, %div3A : vector<32x1x32xf32>
    %sub3A_16 = arith.constant 6.4921279 : f32
    %sub3A_17 = vector.broadcast %sub3A_16 : f32 to vector<32x1x32xf32>
    %sub3A_18 = arith.subf %mul3A_8, %sub3A_17 : vector<32x1x32xf32>
    %sub3A_19 = arith.subf %div3A_15, %sub3A_18 : vector<32x1x32xf32>
    %reduce_sum3A = vector.shape_cast %sub3A_19 : vector<32x1x32xf32> to vector<1x32x1x32xf32>
    %reduce_sum3A_20 = arith.constant dense<0.000000e+00> : vector<1xf32>
    %reduce_sum3A_21 = vector.multi_reduction <add>, %reduce_sum3A, %reduce_sum3A_20 [1, 2, 3] : vector<1x32x1x32xf32> to vector<1xf32>
    %reduce_sum3A_22 = vector.shape_cast %reduce_sum3A_21 : vector<1xf32> to vector<1x1x1x1xf32>
    %reduce_sum3A_23 = vector.extract %reduce_sum3A_22[0, 0, 0, 0] : f32 from vector<1x1x1x1xf32>
    %mul3A_24 = arith.constant 0.693147182 : f32
    %mul3A_25 = arith.mulf %mul3A_24, %reduce_sum3A_23 : f32
    %reshape3A = vector.broadcast %mul3A_25 : f32 to vector<1x1xf32>
    %div3A_26 = arith.constant 1.024000e+03 : f32
    %div3A_27 = vector.broadcast %div3A_26 : f32 to vector<1x1xf32>
    %div3A_28 = arith.divf %reshape3A, %div3A_27 : vector<1x1xf32>
    %swap3A = arith.constant 0 : index
    %swap3A_29 = arith.constant 0 : index
    %swap3A_30 = vector.load %arg2[%swap3A, %swap3A_29] : memref<1x1xf32, #tpu.memory_space<vmem>>, vector<1x1xf32>
    tpu.vector_store %arg2[%swap3A, %swap3A_29], %div3A_28 {strides = array<i32>} : memref<1x1xf32, #tpu.memory_space<vmem>>, vector<1x1xf32>,
    return
  }
}

</mosaic_0001>

<sc_bundles>
// kernel: kernel.5.cloned.1.call-start
scs
__scs_entry_jumppad:
0x0: {  	(pc) =	sbr.rel $0x88, $3  }
0x1: {  	(tag) =	ssettag $0x0;
	lr =	simm.s32 $0x1  }
0x2: {  	[smem:$0x3F9F] =	sst lr;
	_ =	strace $0xD0000000  }
0x3: {  	_ = 	snop  }
0x4: {  	_ = 	snop  }
0x5: {  	_ = 	snop  }
0x6: {  	_ = 	snop  }
0x7: {  	_ = 	snop  }
__scs_overlays_trampoline_lowered:
0x8: {  	[smem:$0x3FAE] =	sst s0  }
0x9: {  	[smem:$0x3FAF] =	sst s1  }
0xa: {  	[smem:$0x3FB0] =	sst s2  }
0xb: {  	[smem:$0x3FB1] =	sst s3  }
0xc: {  	[smem:$0x3FB2] =	sst s4  }
0xd: {  	[smem:$0x3FB3] =	sst s5  }
0xe: {  	[smem:$0x3FB4] =	sst s6  }
0xf: {  	[smem:$0x3FB5] =	sst s7  }
0x10: {  	[smem:$0x3FB6] =	sst s8  }
0x11: {  	[smem:$0x3FB7] =	sst s9;
	s0 =	simm.s32 @!p0 $0x0  }
0x12: {  	s1 =	sld [smem:$0x3F9D];
	s0 =	simm.s32 @p0 $0x1  }
0x13: {  	[smem:$0x3FB8] =	sst s0;
	s0 =	simm.s32 @!p1 $0x0  }
0x14: {  	s2 =	sld [smem:$0x3F9C];
	s0 =	simm.s32 @p1 $0x1  }
0x15: {  	[smem:$0x3FB9] =	sst s0;
	s0 =	simm.s32 @!p2 $0x0  }
0x16: {  	s3 =	sld [smem:$0x3FDB];
	s0 =	simm.s32 @p2 $0x1  }
0x17: {  	s4 =	simm.s32 $0x1BF5;
	[smem:$0x3FBB] =	sst s0  }
0x18: {  	s0 =	sld [smem:$0x3F9E];
	_ =	swait.ge [sflag:s4], $0x0  }
0x19: {  	s7 =	sld [smem:$0x3F9F]  }
0x1a: {  	s8 =	sadd.s32 $0xFFFFE003, lr  }
0x1b: {  	s9 =	sadd.s32 $0xFFFFFEF7, lr;
	s5 =	simm.s32 $0xFFFFFFFF;
	p2 =	slt.u32 s8, $0xFFFFF086  }
0x1c: {  	p1 =	slt.u32 s9, $0xF7A;
	s5 =	simm.s32 @!p2 $0x0  }
0x1d: {  	s5 =	simm.s32 @p1 $0x1;
	p0 =	seq.s32 s7, s2  }
0x1e: {  	s7 =	smul.u32 @!p0 $0xF7A, s2;
	p2 =	seq.s32 @!p0 s5, $0x0  }
0x1f: {  	s9 =	smul.u32 $0xF7A, s1;
	s8 =	simm.s32 @!p0 $0x1BF5;
	p2 =	por !p2, p0  }
0x20: {  	[sflag:s8] =	ssyncset.s32 @!p0 $0xFFFFF086;
	s6 =	sadd.s32 @!p0 s3, s7;
	s7 =	simm.s32 @!p0 $0x108  }
0x21: {  	s3 =	sadd.s32 s3, s9;
	s6 =	sadd.s32 @!p0 $0x88, s6;
	s7 =	simm.s32 @p2 $0x1082  }
0x22: {  	[simem:s7], [sflag:s8] =	dma.local @!p0 [hbm:s6], $0xF7A  }
0x23: {  	s9 =	sor.u32 $0xD0000000, s2;
	s6 =	simm.s32 $0x108;
	_ =	swait.ge @!p0 [sflag:s8], $0x0  }
0x24: {  	s3 =	sadd.s32 $0x88, s3;
	s6 =	simm.s32 @!p1 $0x1082;
	[sflag:s4] =	ssyncset.s32 $0xFFFFF086  }
0x25: {  	[simem:s6], [sflag:s4] =	dma.local [hbm:s3], $0xF7A  }
0x26: {  	[smem:$0x3F9F] =	sst s1;
	(tag) =	ssettag s2;
	_ =	strace s9  }
0x27: {  	s1 =	sld [smem:$0x3FAF]  }
0x28: {  	s2 =	sld [smem:$0x3FB0]  }
0x29: {  	s4 =	sld [smem:$0x3FB2]  }
0x2a: {  	p0 =	seq.s32 s5, $0x0;
	s5 =	sld [smem:$0x3FB3]  }
0x2b: {  	s6 =	sld [smem:$0x3FB4]  }
0x2c: {  	s7 =	sld [smem:$0x3FB5]  }
0x2d: {  	s3 =	simm.s32 $0x108;
	s8 =	sld [smem:$0x3FB6]  }
0x2e: {  	s3 =	simm.s32 @!p0 $0x1082;
	s9 =	sld [smem:$0x3FB7]  }
0x2f: {  	lr =	sadd.s32 s0, s3;
	s0 =	sld [smem:$0x3FAE]  }
0x30: {  	s3 =	sld [smem:$0x3FB1]  }
0x31: {  	[smem:$0x3FBA] =	sst s10  }
0x32: {  	s10 =	sld [smem:$0x3FB8];
	_ =	sdelay $0x3  }
0x33: {  	p0 =	seq.s32 s10, $0x1;
	s10 =	sld [smem:$0x3FBA];
	_ =	sdelay $0x3  }
0x34: {  	[smem:$0x3FBA] =	sst s10  }
0x35: {  	s10 =	sld [smem:$0x3FB9];
	_ =	sdelay $0x3  }
0x36: {  	p1 =	seq.s32 s10, $0x1;
	s10 =	sld [smem:$0x3FBA];
	_ =	sdelay $0x3  }
0x37: {  	[smem:$0x3FBA] =	sst s10  }
0x38: {  	s10 =	sld [smem:$0x3FBB]  }
0x39: {  	_ = 	snop;
	(pc) =	sbr.ind lr, $3  }
0x3a: {  	_ = 	snop  }
0x3b: {  	_ = 	snop  }
0x3c: {  	p2 =	seq.s32 s10, $0x1;
	s10 =	sld [smem:$0x3FBA]  }
0x3d: {  	_ =	shalt  }
0x3e: {  	_ =	shalt  }
0x3f: {  	_ =	shalt  }
0x40: {  	_ =	shalt  }
0x41: {  	_ =	shalt  }
0x42: {  	_ =	shalt  }
0x43: {  	_ =	shalt  }
0x44: {  	_ =	shalt  }
0x45: {  	_ =	shalt  }
0x46: {  	_ =	shalt  }
0x47: {  	_ =	shalt  }
0x48: {  	_ =	shalt  }
0x49: {  	_ =	shalt  }
0x4a: {  	_ =	shalt  }
0x4b: {  	_ =	shalt  }
0x4c: {  	_ =	shalt  }
0x4d: {  	_ =	shalt  }
0x4e: {  	_ =	shalt  }
0x4f: {  	_ =	shalt  }
0x50: {  	_ =	shalt  }
0x51: {  	_ =	shalt  }
0x52: {  	_ =	shalt  }
0x53: {  	_ =	shalt  }
0x54: {  	_ =	shalt  }
0x55: {  	_ =	shalt  }
0x56: {  	_ =	shalt  }
0x57: {  	_ =	shalt  }
0x58: {  	_ =	shalt  }
0x59: {  	_ =	shalt  }
0x5a: {  	_ =	shalt  }
0x5b: {  	_ =	shalt  }
0x5c: {  	_ =	shalt  }
0x5d: {  	_ =	shalt  }
0x5e: {  	_ =	shalt  }
0x5f: {  	_ =	shalt  }
0x60: {  	_ =	shalt  }
0x61: {  	_ =	shalt  }
0x62: {  	_ =	shalt  }
0x63: {  	_ =	shalt  }
0x64: {  	_ =	shalt  }
0x65: {  	_ =	shalt  }
0x66: {  	_ =	shalt  }
0x67: {  	_ =	shalt  }
0x68: {  	_ =	shalt  }
0x69: {  	_ =	shalt  }
0x6a: {  	_ =	shalt  }
0x6b: {  	_ =	shalt  }
0x6c: {  	_ =	shalt  }
0x6d: {  	_ =	shalt  }
0x6e: {  	_ =	shalt  }
0x6f: {  	_ =	shalt  }
0x70: {  	_ =	shalt  }
0x71: {  	_ =	shalt  }
0x72: {  	_ =	shalt  }
0x73: {  	_ =	shalt  }
0x74: {  	_ =	shalt  }
0x75: {  	_ =	shalt  }
0x76: {  	_ =	shalt  }
0x77: {  	_ =	shalt  }
0x78: {  	_ =	shalt  }
0x79: {  	_ =	shalt  }
0x7a: {  	_ =	shalt  }
0x7b: {  	_ =	shalt  }
0x7c: {  	_ =	shalt  }
0x7d: {  	_ =	shalt  }
0x7e: {  	_ =	shalt  }
0x7f: {  	_ =	shalt  }
0x80: {  	_ =	shalt  }
0x81: {  	_ =	shalt  }
0x82: {  	_ =	shalt  }
0x83: {  	_ =	shalt  }
0x84: {  	_ =	shalt  }
0x85: {  	_ =	shalt  }
0x86: {  	_ =	shalt  }
0x87: {  	_ =	shalt  }
.Lfunc_end0:
.L_simem_size_0:
called_computation_lowered:
.L_overlay_start_0:
0x88: {  	s2 =	sld [smem:$0x3FD9]  }
0x89: {  	s3 =	sld [smem:$0x3FFE];
	_ =	sdelay $0x1  }
0x8a: {  	s1 =	srdreg.scid  }
0x8b: {  	s0 =	sand.u32 $0x1, s1  }
0x8c: {  	s17 =	sshll.u32 s0, $0xA;
	s2 =	sadd.s32 s3, s2  }
0x8d: {  	s2 =	sadd.s32 s2, s17  }
0x8e: {  	[smem:$0x3FC6] =	sst s2  }
0x8f: {  	_ = 	snop  }
0x90: {  	s2 =	sld [smem:$0x3FC8];
	(tm) =	ssettm $0x1  }
0x91: {  	s18 =	sld [smem:$0x3FFB];
	_ =	sdelay $0x3  }
0x92: {  	_ =	strace s18  }
0x93: {  	s3 =	sld [smem:$0x3FFC];
	_ =	sdelay $0x3  }
0x94: {  	_ =	strace s3  }
0x95: {  	s3 =	sld [smem:$0x3FFD];
	_ =	sdelay $0x3  }
0x96: {  	_ =	strace s3  }
0x97: {  	_ =	strace $0x8FFFFFFF  }
0x98: {  	s19 =	sld [smem:$0x3FDB];
	_ =	sdelay $0x1  }
0x99: {  	s4 =	simm.s32 $_scs_section_size  }
0x9a: {  	s5 =	simm.s32 $_size__tile_overlayer_lowered;
	s6 =	simm.s32 $_tile_overlayer_lowered  }
0x9b: {  	s22 =	simm.s32 $0x1BFF;
	s21 =	sshll.u32 s6, $0x1;
	s3 =	sadd.s32 s4, s19  }
0x9c: {  	s7 =	simm.s32 $0x0;
	s20 =	sshll.u32 s5, $0x1;
	s5 =	sadd.s32 s21, s3  }
0x9d: {  	[timem:s7], [sflag:s22] =	dma.local [hbm:s5], s20  }
0x9e: {  	_ =	swait.ge [sflag:s22], s20  }
0x9f: {  	s4 =	ssub.s32 $0x0, s20;
	[sflag:s22] =	ssyncset.done $0x0  }
0xa0: {  	[sflag:s22] =	ssyncadd.s32 s4;
	_ =	sdelay $0x1  }
0xa1: {  	s23 =	simm.s32 $0x1B8B  }
0xa2: {  	_ =	swait.ge [sflag:s23], $0x1  }
0xa3: {  	[sflag:s23] =	ssyncset.done $0x0  }
0xa4: {  	s25 =	simm.s32 $0x1B8E;
	s24 =	sld [smem:$0x3FFE];
	[sflag:s23] =	ssyncadd.s32 $0xFFFFFFFF  }
0xa5: {  	s26 =	simm.s32 $execute0_lowered;
	[smem:$0x3FD2] =	sst s25  }
0xa6: {  	s5 =	sshll.u32 s26, $0x1;
	_ =	strace $0x80000046;
	[dreg:$0x1] =	wrdreg $0xFFFFFFFF  }
0xa7: {  	s28 =	simm.s32 $_size_execute0_lowered;
	s3 =	sadd.s32 s3, s5;
	[dreg:$0x0] =	wrdreg $0x0  }
0xa8: {  	s5 =	sshll.u32 s28, $0x1;
	[dreg:$0x2] =	wrdreg s3  }
0xa9: {  	[dreg:$0x3] =	wrdreg s5  }
0xaa: {  	[dreg:$0x4] =	wrdreg $0xC0  }
0xab: {  	_ =	task [dreg:s7], $0x5FFFF  }
0xac: {  	[dreg:$0x1] =	wrdreg $0xFFFFFFFF  }
0xad: {  	[dreg:$0x0] =	wrdreg $0x60  }
0xae: {  	[dreg:$0x2] =	wrdreg s24  }
0xaf: {  	[dreg:$0x3] =	wrdreg s2  }
0xb0: {  	[dreg:$0x4] =	wrdreg $0x9  }
0xb1: {  	_ =	task.clear_ibuf [dreg:s7], $0x5FFFF;
	_ =	strace $0x90000046  }
0xb2: {  	s29 =	simm.s32 $0x9;
	_ =	strace $0x80000048  }
0xb3: {  	_ =	swait.ge [sflag:s29], $0x1  }
0xb4: {  	[sflag:s29] =	ssyncadd.s32 $0xFFFFFFFF  }
0xb5: {  	_ =	strace $0x90000048  }
0xb6: {  	_ =	sfence  }
0xb7: {  	s30 =	sld [smem:$0x0];
	_ =	sdelay $0x2  }
0xb8: {  	s31 =	sshll.u32 s1, $0xD;
	s1 =	sshrl.u32 s1, $0x2  }
0xb9: {  	s3 =	sand.u32 $0x4000, s31;
	s1 =	sadd.s32 s1, s30  }
0xba: {  	s0 =	sor.u32 s3, s0;
	s1 =	sshll.u32 s1, $0x11  }
0xbb: {  	s0 =	sor.u32 s1, s0  }
0xbc: {  	s0 =	sadd.s32 $0x8F2B, s0  }
0xbd: {  	[sflag:s0] =	ssyncadd.remote.s32 $0x1  }
0xbe: {  	_ =	sfence.sel $0xFFFF  }
0xbf: {  	[dreg:$0x0] =	wrdreg $0xFFFFFFFF;
	(pc) =	sbr.abs _section_cstart, $3  }
0xc0: {  	[dreg:$0x1] =	wrdreg $0xFFFFFFFF  }
0xc1: {  	_ =	task.clear_ibuf [dreg:s7], $0x2FFFF;
	_ =	strace $0x9FFFFFFF  }
0xc2: {  	(tm) =	ssettm $0x7FFFFFFF  }
0xc3: {  	_ =	shalt  }
tec
execute0_lowered:
.L_overlay_start_1:
0x0: {  	(tag) =	ssettag $0x1  }
0x1: {  	s1 =	srdreg.scid;
	s3 =	rddreg [dreg:$0x0]  }
0x2: {  	s0 =	stileid.u32;
	s6 =	rddreg [dreg:$0x1]  }
0x3: {  	s2 =	simm.s32 $0x0;
	s10 =	simm.s32 $0x80;
	s11 =	simm.s32 $0x1080  }
0x4: {  	s12 =	simm.s32 $0x0;
	s4 =	sand.u32 $0x1, s1;
	s1 =	rddreg [dreg:$0x2]  }
0x5: {  	s5 =	smul.u32 $0x61C000, s0;
	[smem:$0x7FF] =	sst s2;
	s29 =	sshll.u32 s0, $0x3  }
0x6: {  	s7 =	smul.u32 $0x30E000, s4;
	s8 =	sshll.u32 s4, $0x2;
	s4 =	ssub.s32 $0x2, s4  }
0x7: {  	_ =	strace $0x80000047;
	s30 =	sor.u32 s8, s29;
	s31 =	sshrl.u32 s4, $0x1  }
0x8: {  	v0 =	vlaneseq.u32;
	s5 =	sadd.s32 s7, s5;
	s8 =	sadd.s32 s30, s3;
	s7 =	ssub.s32 s4, s31  }
0x9: {  	v1 =	vmul.u32 $0x80, v0;
	s5 =	sshrl.u32 s5, $0x3;
	s4 =	sadd.s32 $0xC38400, s8;
	s8 =	simm.s32 $0x400  }
0xa: {  	s9 =	sadd.s32 s5, s3;
	s3 =	sadd.s32 s6, s30;
	s5 =	smax.u32 s7, $0x1  }
0xb: {  	v3 =	vimm.f32 $0.0e+00;
	v4 =	vor.u32 $0x10, v0;
	v2 =	vor.u32 $0x800, v1;
	s7 =	simm.s32 $0x1;
	s6 =	sadd.s32 $0x400, s9;
	s9 =	simm.s32 $0xC3800  }
.LBB2_1:
0xc: {  	[tilespmem:s2], [sflag:$0x1] =	stream.linear.gather [hbm4b:s3+s2], $0x20, $0x38;
	[tilespmem:$0x1100] =	vst v63  }
0xd: {  	_ =	swait.ge [sflag:s7], $0x20  }
0xe: {  	[sflag:s7] =	ssyncset.done $0x0  }
0xf: {  	[sflag:s7] =	ssyncadd.s32 $0xFFFFFFE0  }
0x10: {  	v6 =	vld [tilespmem:$0x0]  }
0x11: {  	v7 =	vld [tilespmem:$0x10];
	_ =	sdelay $0x4  }
0x12: {  	v5 =	vshrl.u32 v6, $0x7;
	v8 =	vand.u32 $0x7F, v6;
	v9 =	vand.u32 $0x7F, v7  }
0x13: {  	s13 =	smov.u32 s6;
	s14 =	simm.s32 $0x0;
	v6 =	vshrl.u32 v7, $0x7;
	v7 =	vor.u32 v1, v8;
	v8 =	vor.u32 v2, v9  }
.LBB2_2:
0x14: {  	vm0 =	veq.s32 v5, s14  }
0x15: {  	v9 =	vsel vm0, $0x3F800000, v3  }
0x16: {  	vm15 =	veq.s32 v6, s14;
	(xrf0) =	vmax.scan.msk.f32 $0xffff, v9  }
0x17: {  	v9 =	vsel vm15, $0x3F800000, v3  }
0x18: {  	(xrf0) =	vmax.scan.msk.f32 $0xffff, v9;
	_ =	sdelay $0x3  }
0x19: {  	v9, _, _ =	vpop (xrf0)  }
0x1a: {  	(v2sf) =	vpush v9, $0xF  }
0x1b: {  	v9, _, _ =	vpop (xrf0)  }
0x1c: {  	(v2sf) =	vpush v9, $0xF;
	_ =	sdelay $0xc  }
0x1d: {  	s15 =	spop (v2sf)  }
0x1e: {  	p0 =	sgt.f32 s15, $0.0e+00  }
0x1f: {  	s15 =	spop (v2sf)  }
0x20: {  	p1 =	sgt.f32 @!p0 s15, $0.0e+00;
	_ =	sdelay $0x1  }
0x21: {  	p0 =	por p0, p1  }
0x22: {  	v9 =	vmov @p0 s14  }
0x23: {  	vm0 =	veq.s32 @p0 v5, v9;
	_ =	sdelay $0x1  }
0x24: {  	[tilespmem:s10], [sflag:$0x1] =	stream.strided.gather @p0 [hbm4b:s13+s8], $0x1000, s9, s8, $0x38;
	[tilespmem:$0x1100] =	vst v63  }
0x25: {  	_ =	swait.ge @p0 [sflag:s7], $0x1000  }
0x26: {  	[sflag:s7] =	ssyncset.done @p0 $0x0  }
0x27: {  	[sflag:s7] =	ssyncadd.s32 @p0 $0xFFFFF000  }
0x28: {  	vm1 =	veq.s32 @p0 v6, v9;
	v9 =	vld.idx.msk @p0 [tilespmem:v7+s10+$0x0], vm0;
	_ =	sdelay $0x4  }
0x29: {  	[tilespmem:v0+s11+$0x0] =	vst.idx.msk @p0 vm0, v9  }
0x2a: {  	v9 =	vld.idx.msk @p0 [tilespmem:v8+s10+$0x0], vm1;
	_ =	sdelay $0x3  }
0x2b: {  	s14 =	sadd.s32 $0x1, s14  }
0x2c: {  	[tilespmem:v4+s11+$0x0] =	vst.idx.msk @p0 vm1, v9;
	p0 =	sne.s32 s14, $0x30E  }
.Ltmp0:
0x2d: {  	_ = 	snop;
	(pc) =	sbr.rel @p0 .LBB2_2-.Ltmp0, $2  }
0x2e: {  	_ =	sdelay $0x2  }
0x2f: {  	s13 =	sadd.s32 $0x80, s13  }
0x30: {  	s12 =	sadd.s32 $0x1, s12  }
0x31: {  	p0 =	sne.s32 s12, s5  }
.Ltmp1:
0x32: {  	_ = 	snop;
	(pc) =	sbr.rel @p0 .LBB2_1-.Ltmp1, $4  }
0x33: {  	[hbm4b:s4+s2] =	stream.linear.scatter [tilespmem:s11], [sflag:$0x1], $0x20, $0x38;
	[tilespmem:$0x1100] =	vst v63  }
0x34: {  	_ =	swait.ge [sflag:s7], $0x20  }
0x35: {  	[sflag:s7] =	ssyncset.done $0x0  }
0x36: {  	[sflag:s7] =	ssyncadd.s32 $0xFFFFFFE0  }
0x37: {  	_ =	sfence.sel $0x180000  }
0x38: {  	[bflag:$0x0] =	sbarrier.arrive $0xFFFF  }
0x39: {  	p0 =	sne.s32 s0, $0x0;
	_ =	strace $0x90000047  }
0x3a: {  	s0 =	sadd.s32 @!p0 $0x100000, s1;
	[bflag:$0x2] =	sbarrier.arrive $0xFFFF  }
0x3b: {  	[sflag:s0] =	ssyncadd.tile.s32 @!p0 $0x1;
	_ =	shalt  }
.Lfunc_end2:
_tile_overlayer_lowered:
.L_overlay_start_2:
0x3c: {  	(tag) =	ssettag $0x2  }
0x3d: {  	s0 =	rddreg [dreg:$0x0];
	s2 =	stileid.u32  }
0x3e: {  	s1 =	rddreg [dreg:$0x1];
	p0 =	sne.s32 s2, $0x0  }
0x3f: {  	s3 =	rddreg [dreg:$0x2];
	[bflag:$0x3] =	sbarrier.arrive $0xFFFF;
	s2 =	simm.s32 @!p0 $0x1C01  }
0x40: {  	[timem:s3], [sflag:s2] =	dma.local @!p0 [hbm:s0], s1  }
0x41: {  	s0 =	simm.s32 @!p0 $0x1  }
0x42: {  	_ =	swait.ge @!p0 [sflag:s0], s1  }
0x43: {  	s1 =	ssub.s32 @!p0 $0x0, s1;
	[sflag:s0] =	ssyncset.done @!p0 $0x0  }
0x44: {  	[sflag:s0] =	ssyncadd.s32 @!p0 s1  }
0x45: {  	[bflag:$0x3] =	sbarrier.arrive $0xFFFF  }
0x46: {  	_ =	shalt  }

</sc_bundles>
